<compile_context>
chip_gen: v7x
topology: tpu7x:2x2x1
jax: 0.10.2.dev20260603
libtpu: 0.0.44.dev20260713+nightly
codegen_flags: <defaults>
</compile_context>

<pallas_src>
import functools

import jax
import jax.numpy as jnp
from jax import lax
from jax.experimental import pallas as pl
from jax.experimental.pallas import tpu as pltpu
from jax.experimental.pallas import tpu_sc as plsc

BATCH = 16384
EMB = 64
PAIR = 2 * EMB
NC = 2
NS = 16
NW = NC * NS
BPW = BATCH // NW
CHUNK = BPW // 2

_rows_t = jax.ShapeDtypeStruct((BATCH, PAIR), jnp.float32)


@functools.cache
def _get_sc_gather():
    mesh = plsc.VectorSubcoreMesh(core_axis_name="c", subcore_axis_name="s")

    @functools.partial(
        pl.kernel,
        mesh=mesh,
        out_type=(_rows_t, _rows_t),
        scratch_types=[
            pltpu.VMEM((BPW,), jnp.int32),
            pltpu.VMEM((BPW,), jnp.int32),
            pltpu.VMEM((CHUNK, PAIR), jnp.float32),
            pltpu.VMEM((CHUNK, PAIR), jnp.float32),
            pltpu.SemaphoreType.DMA,
            pltpu.SemaphoreType.DMA,
        ],
    )
    def _sc_gather(uidx_hbm, gidx_hbm, eu_hbm, eg_hbm, urows_hbm, grows_hbm,
                   uidx_v, gidx_v, buf_a, buf_b, sem_a, sem_b):
        wid = lax.axis_index("s") * NC + lax.axis_index("c")
        base = wid * BPW
        sl = pl.ds(base, BPW)
        pltpu.sync_copy(uidx_hbm.at[sl], uidx_v)
        pltpu.sync_copy(gidx_hbm.at[sl], gidx_v)
        cp_a = pltpu.async_copy(eu_hbm.at[uidx_v.at[pl.ds(0, CHUNK)]], buf_a, sem_a)
        cp_b = pltpu.async_copy(eu_hbm.at[uidx_v.at[pl.ds(CHUNK, CHUNK)]], buf_b, sem_b)
        cp_a.wait()
        pltpu.sync_copy(buf_a, urows_hbm.at[pl.ds(base, CHUNK)])
        cp_a = pltpu.async_copy(eg_hbm.at[gidx_v.at[pl.ds(0, CHUNK)]], buf_a, sem_a)
        cp_b.wait()
        pltpu.sync_copy(buf_b, urows_hbm.at[pl.ds(base + CHUNK, CHUNK)])
        cp_b = pltpu.async_copy(eg_hbm.at[gidx_v.at[pl.ds(CHUNK, CHUNK)]], buf_b, sem_b)
        cp_a.wait()
        pltpu.sync_copy(buf_a, grows_hbm.at[pl.ds(base, CHUNK)])
        cp_b.wait()
        pltpu.sync_copy(buf_b, grows_hbm.at[pl.ds(base + CHUNK, CHUNK)])


    return _sc_gather


_BB = 2048


def _tc_body(ul, gl, w1u, w1g, b1r, w2, b2r, w3, b3r, wg, wm, bo, out):
    f32 = jnp.float32
    gu = ul[:, :EMB]
    mu = ul[:, EMB:]
    gg = gl[:, :EMB]
    mg = gl[:, EMB:]
    h = jnp.dot(mu, w1u[...], preferred_element_type=f32)
    h = h + jnp.dot(mg, w1g[...], preferred_element_type=f32)
    h = jnp.maximum(h + b1r[...], 0.0)
    h = jnp.maximum(jnp.dot(h, w2[...], preferred_element_type=f32) + b2r[...], 0.0)
    h = jnp.maximum(jnp.dot(h, w3[...], preferred_element_type=f32) + b3r[...], 0.0)
    logit = jnp.dot(gu * gg, wg[...], preferred_element_type=f32)
    logit = logit + jnp.dot(h, wm[...], preferred_element_type=f32) + bo[...]
    out[...] = jax.nn.sigmoid(logit)


def _tc_mlp(urows, grows, w1u, w1g, b1r, w2, b2r, w3, b3r, wg, wm, bo):
    line_spec = pl.BlockSpec((_BB, PAIR), lambda i: (i, 0))

    def _full(a):
        return pl.BlockSpec(a.shape, lambda i: tuple(0 for _ in a.shape))

    return pl.pallas_call(
        _tc_body,
        grid=(BATCH // _BB,),
        in_specs=[line_spec, line_spec,
                  _full(w1u), _full(w1g), _full(b1r), _full(w2), _full(b2r),
                  _full(w3), _full(b3r), _full(wg), _full(wm), _full(bo)],
        out_specs=pl.BlockSpec((_BB, 1), lambda i: (i, 0)),
        out_shape=jax.ShapeDtypeStruct((BATCH, 1), jnp.float32),
    )(urows, grows, w1u, w1g, b1r, w2, b2r, w3, b3r, wg, wm, bo)


def kernel(user_index, game_index, E_gcf_u, E_gcf_g, E_mlp_u, E_mlp_g,
           W1, b1, W2, b2, W3, b3, Wout, bout):
    uidx = user_index.astype(jnp.int32)
    gidx = game_index.astype(jnp.int32)
    eu = jnp.concatenate([E_gcf_u, E_mlp_u], axis=1)
    eg = jnp.concatenate([E_gcf_g, E_mlp_g], axis=1)
    urows, grows = _get_sc_gather()(uidx, gidx, eu, eg)
    w1u = W1[:EMB]
    w1g = W1[EMB:]
    wg = Wout[:EMB]
    wm = Wout[EMB:]
    b1r = b1.reshape(1, -1)
    b2r = b2.reshape(1, -1)
    b3r = b3.reshape(1, -1)
    bo = bout.reshape(1, -1)
    return _tc_mlp(urows, grows, w1u, w1g, b1r, W2, b2r, W3, b3r, wg, wm, bo)

# --- scband reference (transcript-rebuilt; emitter-appended) ---
"""Pipeline reference for scband-ncf-82386062672119 (READ-ONLY COPY).

The authoritative reference and input builder live on the scoring server;
editing this copy changes nothing except your own understanding.
"""

import jax, jax.numpy as jnp
import numpy as np

NUM_USERS = 100000
NUM_GAMES = 100000
EMB = 64
BATCH = 16384
# mlp_hidden_layer_sizes = [2*EMB, 16, 8, 4]

def setup_inputs(seed: int = 0) -> dict:
    key = jax.random.key(seed)
    ks = jax.random.split(key, 16)
    user_index = jax.random.randint(ks[0], (BATCH,), 0, NUM_USERS)
    game_index = jax.random.randint(ks[1], (BATCH,), 0, NUM_GAMES)
    E_gcf_u = jax.random.normal(ks[2], (NUM_USERS, EMB), dtype=jnp.float32) * 0.05
    E_gcf_g = jax.random.normal(ks[3], (NUM_GAMES, EMB), dtype=jnp.float32) * 0.05
    E_mlp_u = jax.random.normal(ks[4], (NUM_USERS, EMB), dtype=jnp.float32) * 0.05
    E_mlp_g = jax.random.normal(ks[5], (NUM_GAMES, EMB), dtype=jnp.float32) * 0.05
    W1 = jax.random.normal(ks[6], (2 * EMB, 16), dtype=jnp.float32) * (1.0 / np.sqrt(2 * EMB))
    b1 = jnp.zeros((16,), dtype=jnp.float32)
    W2 = jax.random.normal(ks[7], (16, 8), dtype=jnp.float32) * 0.25
    b2 = jnp.zeros((8,), dtype=jnp.float32)
    W3 = jax.random.normal(ks[8], (8, 4), dtype=jnp.float32) * 0.35
    b3 = jnp.zeros((4,), dtype=jnp.float32)
    Wout = jax.random.normal(ks[9], (EMB + 4, 1), dtype=jnp.float32) * (1.0 / np.sqrt(EMB + 4))
    bout = jnp.zeros((1,), dtype=jnp.float32)
    return {
        "user_index": user_index, "game_index": game_index,
        "E_gcf_u": E_gcf_u, "E_gcf_g": E_gcf_g,
        "E_mlp_u": E_mlp_u, "E_mlp_g": E_mlp_g,
        "W1": W1, "b1": b1, "W2": W2, "b2": b2, "W3": W3, "b3": b3,
        "Wout": Wout, "bout": bout,
    }

def reference(user_index, game_index, E_gcf_u, E_gcf_g, E_mlp_u, E_mlp_g,
              W1, b1, W2, b2, W3, b3, Wout, bout):
    # GCF branch: elementwise product of user/game embeddings
    gcf_user = jnp.take(E_gcf_u, user_index, axis=0)
    gcf_game = jnp.take(E_gcf_g, game_index, axis=0)
    gcf_vector = gcf_user * gcf_game
    # MLP branch
    mlp_user = jnp.take(E_mlp_u, user_index, axis=0)
    mlp_game = jnp.take(E_mlp_g, game_index, axis=0)
    mlp_vector = jnp.concatenate([mlp_user, mlp_game], axis=1)
    mlp_vector = jax.nn.relu(mlp_vector @ W1 + b1)
    mlp_vector = jax.nn.relu(mlp_vector @ W2 + b2)
    mlp_vector = jax.nn.relu(mlp_vector @ W3 + b3)
    # NCF fusion (dropout is identity in eval mode)
    ncf_vector = jnp.concatenate([gcf_vector, mlp_vector], axis=1)
    output = jax.nn.sigmoid(ncf_vector @ Wout + bout)
    return output

if __name__ == "__main__":
    import jax
    _d = setup_inputs()
    print(jax.jit(kernel)(*tuple(_d.values())))

</pallas_src>

<mosaic_0001>
#map = affine_map<(d0, d1) -> (0)>
#map1 = affine_map<(d0, d1) -> (0, 0)>
module attributes {stable_mosaic.version = 14 : i64} {
  func.func @_sc_gather(%arg0: i32, %arg1: i32, %arg2: memref<16384xi32, #tpu.memory_space<hbm>>, %arg3: memref<16384xi32, #tpu.memory_space<hbm>>, %arg4: memref<100000x128xf32, #tpu.memory_space<hbm>>, %arg5: memref<100000x128xf32, #tpu.memory_space<hbm>>, %arg6: memref<16384x128xf32, #tpu.memory_space<hbm>>, %arg7: memref<16384x128xf32, #tpu.memory_space<hbm>>, %arg8: memref<512xi32, #tpu.memory_space<vmem>>, %arg9: memref<512xi32, #tpu.memory_space<vmem>>, %arg10: memref<256x128xf32, #tpu.memory_space<vmem>>, %arg11: memref<256x128xf32, #tpu.memory_space<vmem>>, %arg12: memref<!tpu.dma_semaphore, #tpu.memory_space<semaphore_mem>>, %arg13: memref<!tpu.dma_semaphore, #tpu.memory_space<semaphore_mem>>) attributes {dimension_semantics = [#tpu.dimension_semantics<core_parallel>, #tpu.dimension_semantics<subcore_parallel>], iteration_bounds = array<i64: 2, 16>, scalar_prefetch = 0 : i64, scratch_operands = 6 : i64, tpu.core_type = #tpu.core_type<sc_vector_subcore>, window_params = [{transform_indices = #map}, {transform_indices = #map}, {transform_indices = #map1}, {transform_indices = #map1}, {transform_indices = #map1}, {transform_indices = #map1}]} {
    %mul3A = arith.constant 2 : i32
    %mul3A_0 = arith.muli %arg1, %mul3A : i32
    %add3A = arith.addi %mul3A_0, %arg0 : i32
    %mul3A_1 = arith.constant 512 : i32
    %mul3A_2 = arith.muli %add3A, %mul3A_1 : i32
    "tpu.region"() ({
      %run_scoped3A = tpu.sem_alloc : memref<!tpu.dma_semaphore, #tpu.memory_space<semaphore_mem>>
      %dma_start3A_45 = tpu.memref_slice %arg2[%mul3A_2] : memref<16384xi32, #tpu.memory_space<hbm>> -> memref<512xi32, #tpu.memory_space<hbm>>
      %dma_start3A_46 = tpu.memref_slice %arg2[%mul3A_2] : memref<16384xi32, #tpu.memory_space<hbm>> -> memref<512xi32, #tpu.memory_space<hbm>>
      tpu.enqueue_dma source(%dma_start3A_46 : memref<512xi32, #tpu.memory_space<hbm>>) target(%arg8 : memref<512xi32, #tpu.memory_space<vmem>>) target_semaphore(%run_scoped3A : memref<!tpu.dma_semaphore, #tpu.memory_space<semaphore_mem>>)
      %dma_wait3A_47 = tpu.memref_slice %arg2[%mul3A_2] : memref<16384xi32, #tpu.memory_space<hbm>> -> memref<512xi32, #tpu.memory_space<hbm>>
      %dma_wait3A_48 = tpu.memref_slice %arg2[%mul3A_2] : memref<16384xi32, #tpu.memory_space<hbm>> -> memref<512xi32, #tpu.memory_space<hbm>>
      tpu.wait_dma2 semaphore(%run_scoped3A : memref<!tpu.dma_semaphore, #tpu.memory_space<semaphore_mem>>) src(%dma_wait3A_48 : memref<512xi32, #tpu.memory_space<hbm>>) dst(%arg8 : memref<512xi32, #tpu.memory_space<vmem>>)
      tpu.yield
    }) : () -> ()
    "tpu.region"() ({
      %run_scoped3A = tpu.sem_alloc : memref<!tpu.dma_semaphore, #tpu.memory_space<semaphore_mem>>
      %dma_start3A_45 = tpu.memref_slice %arg3[%mul3A_2] : memref<16384xi32, #tpu.memory_space<hbm>> -> memref<512xi32, #tpu.memory_space<hbm>>
      %dma_start3A_46 = tpu.memref_slice %arg3[%mul3A_2] : memref<16384xi32, #tpu.memory_space<hbm>> -> memref<512xi32, #tpu.memory_space<hbm>>
      tpu.enqueue_dma source(%dma_start3A_46 : memref<512xi32, #tpu.memory_space<hbm>>) target(%arg9 : memref<512xi32, #tpu.memory_space<vmem>>) target_semaphore(%run_scoped3A : memref<!tpu.dma_semaphore, #tpu.memory_space<semaphore_mem>>)
      %dma_wait3A_47 = tpu.memref_slice %arg3[%mul3A_2] : memref<16384xi32, #tpu.memory_space<hbm>> -> memref<512xi32, #tpu.memory_space<hbm>>
      %dma_wait3A_48 = tpu.memref_slice %arg3[%mul3A_2] : memref<16384xi32, #tpu.memory_space<hbm>> -> memref<512xi32, #tpu.memory_space<hbm>>
      tpu.wait_dma2 semaphore(%run_scoped3A : memref<!tpu.dma_semaphore, #tpu.memory_space<semaphore_mem>>) src(%dma_wait3A_48 : memref<512xi32, #tpu.memory_space<hbm>>) dst(%arg9 : memref<512xi32, #tpu.memory_space<vmem>>)
      tpu.yield
    }) : () -> ()
    %dma_start3A = arith.constant 0 : i32
    %dma_start3A_3 = tpu.memref_slice %arg8[%dma_start3A] : memref<512xi32, #tpu.memory_space<vmem>> -> memref<256xi32, #tpu.memory_space<vmem>>
    %dma_start3A_4 = arith.constant 0 : i32
    %dma_start3A_5 = arith.constant 0 : i32
    %dma_start3A_6 = tpu.memref_slice %arg4[%dma_start3A_4, %dma_start3A_5] : memref<100000x128xf32, #tpu.memory_space<hbm>> -> memref<100000x128xf32, #tpu.memory_space<hbm>>
    tpu.enqueue_indirect_dma source(%dma_start3A_6 : memref<100000x128xf32, #tpu.memory_space<hbm>>) target(%arg10 : memref<256x128xf32, #tpu.memory_space<vmem>>) offsets(%dma_start3A_3 : memref<256xi32, #tpu.memory_space<vmem>>) semaphore(%arg12 : memref<!tpu.dma_semaphore, #tpu.memory_space<semaphore_mem>>)
    %dma_start3A_7 = arith.constant 256 : i32
    %dma_start3A_8 = tpu.memref_slice %arg8[%dma_start3A_7] : memref<512xi32, #tpu.memory_space<vmem>> -> memref<256xi32, #tpu.memory_space<vmem>>
    %dma_start3A_9 = arith.constant 0 : i32
    %dma_start3A_10 = arith.constant 0 : i32
    %dma_start3A_11 = tpu.memref_slice %arg4[%dma_start3A_9, %dma_start3A_10] : memref<100000x128xf32, #tpu.memory_space<hbm>> -> memref<100000x128xf32, #tpu.memory_space<hbm>>
    tpu.enqueue_indirect_dma source(%dma_start3A_11 : memref<100000x128xf32, #tpu.memory_space<hbm>>) target(%arg11 : memref<256x128xf32, #tpu.memory_space<vmem>>) offsets(%dma_start3A_8 : memref<256xi32, #tpu.memory_space<vmem>>) semaphore(%arg13 : memref<!tpu.dma_semaphore, #tpu.memory_space<semaphore_mem>>)
    %dma_wait3A = arith.constant 0 : i32
    %dma_wait3A_12 = tpu.memref_slice %arg8[%dma_wait3A] : memref<512xi32, #tpu.memory_space<vmem>> -> memref<256xi32, #tpu.memory_space<vmem>>
    %dma_wait3A_13 = arith.constant 0 : i32
    %dma_wait3A_14 = arith.constant 0 : i32
    %dma_wait3A_15 = tpu.memref_slice %arg4[%dma_wait3A_13, %dma_wait3A_14] : memref<100000x128xf32, #tpu.memory_space<hbm>> -> memref<100000x128xf32, #tpu.memory_space<hbm>>
    tpu.wait_indirect_dma semaphore(%arg12 : memref<!tpu.dma_semaphore, #tpu.memory_space<semaphore_mem>>) src(%dma_wait3A_15 : memref<100000x128xf32, #tpu.memory_space<hbm>>) dst(%arg10 : memref<256x128xf32, #tpu.memory_space<vmem>>)
    "tpu.region"() ({
      %run_scoped3A = tpu.sem_alloc : memref<!tpu.dma_semaphore, #tpu.memory_space<semaphore_mem>>
      %dma_start3A_45 = arith.constant 0 : i32
      %dma_start3A_46 = tpu.memref_slice %arg6[%mul3A_2, %dma_start3A_45] : memref<16384x128xf32, #tpu.memory_space<hbm>> -> memref<256x128xf32, #tpu.memory_space<hbm>>
      %dma_start3A_47 = arith.constant 0 : i32
      %dma_start3A_48 = tpu.memref_slice %arg6[%mul3A_2, %dma_start3A_47] : memref<16384x128xf32, #tpu.memory_space<hbm>> -> memref<256x128xf32, #tpu.memory_space<hbm>>
      tpu.enqueue_dma source(%arg10 : memref<256x128xf32, #tpu.memory_space<vmem>>) target(%dma_start3A_48 : memref<256x128xf32, #tpu.memory_space<hbm>>) target_semaphore(%run_scoped3A : memref<!tpu.dma_semaphore, #tpu.memory_space<semaphore_mem>>)
      %dma_wait3A_49 = arith.constant 0 : i32
      %dma_wait3A_50 = tpu.memref_slice %arg6[%mul3A_2, %dma_wait3A_49] : memref<16384x128xf32, #tpu.memory_space<hbm>> -> memref<256x128xf32, #tpu.memory_space<hbm>>
      %dma_wait3A_51 = arith.constant 0 : i32
      %dma_wait3A_52 = tpu.memref_slice %arg6[%mul3A_2, %dma_wait3A_51] : memref<16384x128xf32, #tpu.memory_space<hbm>> -> memref<256x128xf32, #tpu.memory_space<hbm>>
      tpu.wait_dma2 semaphore(%run_scoped3A : memref<!tpu.dma_semaphore, #tpu.memory_space<semaphore_mem>>) src(%arg10 : memref<256x128xf32, #tpu.memory_space<vmem>>) dst(%dma_wait3A_52 : memref<256x128xf32, #tpu.memory_space<hbm>>)
      tpu.yield
    }) : () -> ()
    %dma_start3A_16 = arith.constant 0 : i32
    %dma_start3A_17 = tpu.memref_slice %arg9[%dma_start3A_16] : memref<512xi32, #tpu.memory_space<vmem>> -> memref<256xi32, #tpu.memory_space<vmem>>
    %dma_start3A_18 = arith.constant 0 : i32
    %dma_start3A_19 = arith.constant 0 : i32
    %dma_start3A_20 = tpu.memref_slice %arg5[%dma_start3A_18, %dma_start3A_19] : memref<100000x128xf32, #tpu.memory_space<hbm>> -> memref<100000x128xf32, #tpu.memory_space<hbm>>
    tpu.enqueue_indirect_dma source(%dma_start3A_20 : memref<100000x128xf32, #tpu.memory_space<hbm>>) target(%arg10 : memref<256x128xf32, #tpu.memory_space<vmem>>) offsets(%dma_start3A_17 : memref<256xi32, #tpu.memory_space<vmem>>) semaphore(%arg12 : memref<!tpu.dma_semaphore, #tpu.memory_space<semaphore_mem>>)
    %dma_wait3A_21 = arith.constant 256 : i32
    %dma_wait3A_22 = tpu.memref_slice %arg8[%dma_wait3A_21] : memref<512xi32, #tpu.memory_space<vmem>> -> memref<256xi32, #tpu.memory_space<vmem>>
    %dma_wait3A_23 = arith.constant 0 : i32
    %dma_wait3A_24 = arith.constant 0 : i32
    %dma_wait3A_25 = tpu.memref_slice %arg4[%dma_wait3A_23, %dma_wait3A_24] : memref<100000x128xf32, #tpu.memory_space<hbm>> -> memref<100000x128xf32, #tpu.memory_space<hbm>>
    tpu.wait_indirect_dma semaphore(%arg13 : memref<!tpu.dma_semaphore, #tpu.memory_space<semaphore_mem>>) src(%dma_wait3A_25 : memref<100000x128xf32, #tpu.memory_space<hbm>>) dst(%arg11 : memref<256x128xf32, #tpu.memory_space<vmem>>)
    %add3A_26 = arith.constant 256 : i32
    %add3A_27 = arith.addi %mul3A_2, %add3A_26 : i32
    "tpu.region"() ({
      %run_scoped3A = tpu.sem_alloc : memref<!tpu.dma_semaphore, #tpu.memory_space<semaphore_mem>>
      %dma_start3A_45 = arith.constant 0 : i32
      %dma_start3A_46 = tpu.memref_slice %arg6[%add3A_27, %dma_start3A_45] : memref<16384x128xf32, #tpu.memory_space<hbm>> -> memref<256x128xf32, #tpu.memory_space<hbm>>
      %dma_start3A_47 = arith.constant 0 : i32
      %dma_start3A_48 = tpu.memref_slice %arg6[%add3A_27, %dma_start3A_47] : memref<16384x128xf32, #tpu.memory_space<hbm>> -> memref<256x128xf32, #tpu.memory_space<hbm>>
      tpu.enqueue_dma source(%arg11 : memref<256x128xf32, #tpu.memory_space<vmem>>) target(%dma_start3A_48 : memref<256x128xf32, #tpu.memory_space<hbm>>) target_semaphore(%run_scoped3A : memref<!tpu.dma_semaphore, #tpu.memory_space<semaphore_mem>>)
      %dma_wait3A_49 = arith.constant 0 : i32
      %dma_wait3A_50 = tpu.memref_slice %arg6[%add3A_27, %dma_wait3A_49] : memref<16384x128xf32, #tpu.memory_space<hbm>> -> memref<256x128xf32, #tpu.memory_space<hbm>>
      %dma_wait3A_51 = arith.constant 0 : i32
      %dma_wait3A_52 = tpu.memref_slice %arg6[%add3A_27, %dma_wait3A_51] : memref<16384x128xf32, #tpu.memory_space<hbm>> -> memref<256x128xf32, #tpu.memory_space<hbm>>
      tpu.wait_dma2 semaphore(%run_scoped3A : memref<!tpu.dma_semaphore, #tpu.memory_space<semaphore_mem>>) src(%arg11 : memref<256x128xf32, #tpu.memory_space<vmem>>) dst(%dma_wait3A_52 : memref<256x128xf32, #tpu.memory_space<hbm>>)
      tpu.yield
    }) : () -> ()
    %dma_start3A_28 = arith.constant 256 : i32
    %dma_start3A_29 = tpu.memref_slice %arg9[%dma_start3A_28] : memref<512xi32, #tpu.memory_space<vmem>> -> memref<256xi32, #tpu.memory_space<vmem>>
    %dma_start3A_30 = arith.constant 0 : i32
    %dma_start3A_31 = arith.constant 0 : i32
    %dma_start3A_32 = tpu.memref_slice %arg5[%dma_start3A_30, %dma_start3A_31] : memref<100000x128xf32, #tpu.memory_space<hbm>> -> memref<100000x128xf32, #tpu.memory_space<hbm>>
    tpu.enqueue_indirect_dma source(%dma_start3A_32 : memref<100000x128xf32, #tpu.memory_space<hbm>>) target(%arg11 : memref<256x128xf32, #tpu.memory_space<vmem>>) offsets(%dma_start3A_29 : memref<256xi32, #tpu.memory_space<vmem>>) semaphore(%arg13 : memref<!tpu.dma_semaphore, #tpu.memory_space<semaphore_mem>>)
    %dma_wait3A_33 = arith.constant 0 : i32
    %dma_wait3A_34 = tpu.memref_slice %arg9[%dma_wait3A_33] : memref<512xi32, #tpu.memory_space<vmem>> -> memref<256xi32, #tpu.memory_space<vmem>>
    %dma_wait3A_35 = arith.constant 0 : i32
    %dma_wait3A_36 = arith.constant 0 : i32
    %dma_wait3A_37 = tpu.memref_slice %arg5[%dma_wait3A_35, %dma_wait3A_36] : memref<100000x128xf32, #tpu.memory_space<hbm>> -> memref<100000x128xf32, #tpu.memory_space<hbm>>
    tpu.wait_indirect_dma semaphore(%arg12 : memref<!tpu.dma_semaphore, #tpu.memory_space<semaphore_mem>>) src(%dma_wait3A_37 : memref<100000x128xf32, #tpu.memory_space<hbm>>) dst(%arg10 : memref<256x128xf32, #tpu.memory_space<vmem>>)
    "tpu.region"() ({
      %run_scoped3A = tpu.sem_alloc : memref<!tpu.dma_semaphore, #tpu.memory_space<semaphore_mem>>
      %dma_start3A_45 = arith.constant 0 : i32
      %dma_start3A_46 = tpu.memref_slice %arg7[%mul3A_2, %dma_start3A_45] : memref<16384x128xf32, #tpu.memory_space<hbm>> -> memref<256x128xf32, #tpu.memory_space<hbm>>
      %dma_start3A_47 = arith.constant 0 : i32
      %dma_start3A_48 = tpu.memref_slice %arg7[%mul3A_2, %dma_start3A_47] : memref<16384x128xf32, #tpu.memory_space<hbm>> -> memref<256x128xf32, #tpu.memory_space<hbm>>
      tpu.enqueue_dma source(%arg10 : memref<256x128xf32, #tpu.memory_space<vmem>>) target(%dma_start3A_48 : memref<256x128xf32, #tpu.memory_space<hbm>>) target_semaphore(%run_scoped3A : memref<!tpu.dma_semaphore, #tpu.memory_space<semaphore_mem>>)
      %dma_wait3A_49 = arith.constant 0 : i32
      %dma_wait3A_50 = tpu.memref_slice %arg7[%mul3A_2, %dma_wait3A_49] : memref<16384x128xf32, #tpu.memory_space<hbm>> -> memref<256x128xf32, #tpu.memory_space<hbm>>
      %dma_wait3A_51 = arith.constant 0 : i32
      %dma_wait3A_52 = tpu.memref_slice %arg7[%mul3A_2, %dma_wait3A_51] : memref<16384x128xf32, #tpu.memory_space<hbm>> -> memref<256x128xf32, #tpu.memory_space<hbm>>
      tpu.wait_dma2 semaphore(%run_scoped3A : memref<!tpu.dma_semaphore, #tpu.memory_space<semaphore_mem>>) src(%arg10 : memref<256x128xf32, #tpu.memory_space<vmem>>) dst(%dma_wait3A_52 : memref<256x128xf32, #tpu.memory_space<hbm>>)
      tpu.yield
    }) : () -> ()
    %dma_wait3A_38 = arith.constant 256 : i32
    %dma_wait3A_39 = tpu.memref_slice %arg9[%dma_wait3A_38] : memref<512xi32, #tpu.memory_space<vmem>> -> memref<256xi32, #tpu.memory_space<vmem>>
    %dma_wait3A_40 = arith.constant 0 : i32
    %dma_wait3A_41 = arith.constant 0 : i32
    %dma_wait3A_42 = tpu.memref_slice %arg5[%dma_wait3A_40, %dma_wait3A_41] : memref<100000x128xf32, #tpu.memory_space<hbm>> -> memref<100000x128xf32, #tpu.memory_space<hbm>>
    tpu.wait_indirect_dma semaphore(%arg13 : memref<!tpu.dma_semaphore, #tpu.memory_space<semaphore_mem>>) src(%dma_wait3A_42 : memref<100000x128xf32, #tpu.memory_space<hbm>>) dst(%arg11 : memref<256x128xf32, #tpu.memory_space<vmem>>)
    %add3A_43 = arith.constant 256 : i32
    %add3A_44 = arith.addi %mul3A_2, %add3A_43 : i32
    "tpu.region"() ({
      %run_scoped3A = tpu.sem_alloc : memref<!tpu.dma_semaphore, #tpu.memory_space<semaphore_mem>>
      %dma_start3A_45 = arith.constant 0 : i32
      %dma_start3A_46 = tpu.memref_slice %arg7[%add3A_44, %dma_start3A_45] : memref<16384x128xf32, #tpu.memory_space<hbm>> -> memref<256x128xf32, #tpu.memory_space<hbm>>
      %dma_start3A_47 = arith.constant 0 : i32
      %dma_start3A_48 = tpu.memref_slice %arg7[%add3A_44, %dma_start3A_47] : memref<16384x128xf32, #tpu.memory_space<hbm>> -> memref<256x128xf32, #tpu.memory_space<hbm>>
      tpu.enqueue_dma source(%arg11 : memref<256x128xf32, #tpu.memory_space<vmem>>) target(%dma_start3A_48 : memref<256x128xf32, #tpu.memory_space<hbm>>) target_semaphore(%run_scoped3A : memref<!tpu.dma_semaphore, #tpu.memory_space<semaphore_mem>>)
      %dma_wait3A_49 = arith.constant 0 : i32
      %dma_wait3A_50 = tpu.memref_slice %arg7[%add3A_44, %dma_wait3A_49] : memref<16384x128xf32, #tpu.memory_space<hbm>> -> memref<256x128xf32, #tpu.memory_space<hbm>>
      %dma_wait3A_51 = arith.constant 0 : i32
      %dma_wait3A_52 = tpu.memref_slice %arg7[%add3A_44, %dma_wait3A_51] : memref<16384x128xf32, #tpu.memory_space<hbm>> -> memref<256x128xf32, #tpu.memory_space<hbm>>
      tpu.wait_dma2 semaphore(%run_scoped3A : memref<!tpu.dma_semaphore, #tpu.memory_space<semaphore_mem>>) src(%arg11 : memref<256x128xf32, #tpu.memory_space<vmem>>) dst(%dma_wait3A_52 : memref<256x128xf32, #tpu.memory_space<hbm>>)
      tpu.yield
    }) : () -> ()
    return
  }
}

module attributes {stable_mosaic.version = 14 : i64} {
  func.func @_tc_body(%arg0: i32, %arg1: memref<2048x128xf32, #tpu.memory_space<vmem>>, %arg2: memref<2048x128xf32, #tpu.memory_space<vmem>>, %arg3: memref<64x16xf32, #tpu.memory_space<vmem>>, %arg4: memref<64x16xf32, #tpu.memory_space<vmem>>, %arg5: memref<1x16xf32, #tpu.memory_space<vmem>>, %arg6: memref<16x8xf32, #tpu.memory_space<vmem>>, %arg7: memref<1x8xf32, #tpu.memory_space<vmem>>, %arg8: memref<8x4xf32, #tpu.memory_space<vmem>>, %arg9: memref<1x4xf32, #tpu.memory_space<vmem>>, %arg10: memref<64x1xf32, #tpu.memory_space<vmem>>, %arg11: memref<4x1xf32, #tpu.memory_space<vmem>>, %arg12: memref<1x1xf32, #tpu.memory_space<vmem>>, %arg13: memref<2048x1xf32, #tpu.memory_space<vmem>>) attributes {dimension_semantics = [#tpu.dimension_semantics<arbitrary>], iteration_bounds = array<i64: 8>, scalar_prefetch = 0 : i64, scratch_operands = 0 : i64, tpu.core_type = #tpu.core_type<tc>, window_params = [{transform_indices = @transform_0, window_bounds = array<i64: 2048, 128>}, {transform_indices = @transform_1, window_bounds = array<i64: 2048, 128>}, {pipeline_mode = #tpu.pipeline_mode<synchronous>, transform_indices = @transform_2, window_bounds = array<i64: 64, 16>}, {pipeline_mode = #tpu.pipeline_mode<synchronous>, transform_indices = @transform_3, window_bounds = array<i64: 64, 16>}, {pipeline_mode = #tpu.pipeline_mode<synchronous>, transform_indices = @transform_4, window_bounds = array<i64: 1, 16>}, {pipeline_mode = #tpu.pipeline_mode<synchronous>, transform_indices = @transform_5, window_bounds = array<i64: 16, 8>}, {pipeline_mode = #tpu.pipeline_mode<synchronous>, transform_indices = @transform_6, window_bounds = array<i64: 1, 8>}, {pipeline_mode = #tpu.pipeline_mode<synchronous>, transform_indices = @transform_7, window_bounds = array<i64: 8, 4>}, {pipeline_mode = #tpu.pipeline_mode<synchronous>, transform_indices = @transform_8, window_bounds = array<i64: 1, 4>}, {pipeline_mode = #tpu.pipeline_mode<synchronous>, transform_indices = @transform_9, window_bounds = array<i64: 64, 1>}, {pipeline_mode = #tpu.pipeline_mode<synchronous>, transform_indices = @transform_10, window_bounds = array<i64: 4, 1>}, {pipeline_mode = #tpu.pipeline_mode<synchronous>, transform_indices = @transform_11, window_bounds = array<i64: 1, 1>}, {transform_indices = @transform_12, window_bounds = array<i64: 2048, 1>}]} {
    %get3A = arith.constant 0 : index
    %get3A_0 = arith.constant 0 : index
    %get3A_1 = vector.load %arg1[%get3A, %get3A_0] : memref<2048x128xf32, #tpu.memory_space<vmem>>, vector<2048x64xf32>
    %get3A_2 = arith.constant 0 : index
    %get3A_3 = arith.constant 64 : index
    %get3A_4 = vector.load %arg1[%get3A_2, %get3A_3] : memref<2048x128xf32, #tpu.memory_space<vmem>>, vector<2048x64xf32>
    %get3A_5 = arith.constant 0 : index
    %get3A_6 = arith.constant 0 : index
    %get3A_7 = vector.load %arg2[%get3A_5, %get3A_6] : memref<2048x128xf32, #tpu.memory_space<vmem>>, vector<2048x64xf32>
    %get3A_8 = arith.constant 0 : index
    %get3A_9 = arith.constant 64 : index
    %get3A_10 = vector.load %arg2[%get3A_8, %get3A_9] : memref<2048x128xf32, #tpu.memory_space<vmem>>, vector<2048x64xf32>
    %get3A_11 = arith.constant 0 : index
    %get3A_12 = arith.constant 0 : index
    %get3A_13 = vector.load %arg3[%get3A_11, %get3A_12] : memref<64x16xf32, #tpu.memory_space<vmem>>, vector<64x16xf32>
    %dot_general3A = arith.constant dense<0.000000e+00> : vector<2048x16xf32>
    %dot_general3A_14 = tpu.matmul %get3A_4, %get3A_13, %dot_general3A {dimension_numbers = #tpu.dot_dimension_numbers<[1], [0], [0], [1], [0, 0, 1, 1], [], []>, transpose_lhs_hint = false} : vector<2048x64xf32>, vector<64x16xf32>, vector<2048x16xf32> -> vector<2048x16xf32>
    %get3A_15 = arith.constant 0 : index
    %get3A_16 = arith.constant 0 : index
    %get3A_17 = vector.load %arg4[%get3A_15, %get3A_16] : memref<64x16xf32, #tpu.memory_space<vmem>>, vector<64x16xf32>
    %dot_general3A_18 = arith.constant dense<0.000000e+00> : vector<2048x16xf32>
    %dot_general3A_19 = tpu.matmul %get3A_10, %get3A_17, %dot_general3A_18 {dimension_numbers = #tpu.dot_dimension_numbers<[1], [0], [0], [1], [0, 0, 1, 1], [], []>, transpose_lhs_hint = false} : vector<2048x64xf32>, vector<64x16xf32>, vector<2048x16xf32> -> vector<2048x16xf32>
    %add3A = arith.addf %dot_general3A_14, %dot_general3A_19 : vector<2048x16xf32>
    %get3A_20 = arith.constant 0 : index
    %get3A_21 = arith.constant 0 : index
    %get3A_22 = vector.load %arg5[%get3A_20, %get3A_21] : memref<1x16xf32, #tpu.memory_space<vmem>>, vector<1x16xf32>
    %add3A_23 = vector.broadcast %get3A_22 : vector<1x16xf32> to vector<2048x16xf32>
    %add3A_24 = arith.addf %add3A, %add3A_23 : vector<2048x16xf32>
    %max3A = arith.constant 0.000000e+00 : f32
    %max3A_25 = vector.broadcast %max3A : f32 to vector<2048x16xf32>
    %max3A_26 = arith.maximumf %add3A_24, %max3A_25 : vector<2048x16xf32>
    %get3A_27 = arith.constant 0 : index
    %get3A_28 = arith.constant 0 : index
    %get3A_29 = vector.load %arg6[%get3A_27, %get3A_28] : memref<16x8xf32, #tpu.memory_space<vmem>>, vector<16x8xf32>
    %dot_general3A_30 = arith.constant dense<0.000000e+00> : vector<2048x8xf32>
    %dot_general3A_31 = tpu.matmul %max3A_26, %get3A_29, %dot_general3A_30 {dimension_numbers = #tpu.dot_dimension_numbers<[1], [0], [0], [1], [0, 0, 1, 1], [], []>, transpose_lhs_hint = false} : vector<2048x16xf32>, vector<16x8xf32>, vector<2048x8xf32> -> vector<2048x8xf32>
    %get3A_32 = arith.constant 0 : index
    %get3A_33 = arith.constant 0 : index
    %get3A_34 = vector.load %arg7[%get3A_32, %get3A_33] : memref<1x8xf32, #tpu.memory_space<vmem>>, vector<1x8xf32>
    %add3A_35 = vector.broadcast %get3A_34 : vector<1x8xf32> to vector<2048x8xf32>
    %add3A_36 = arith.addf %dot_general3A_31, %add3A_35 : vector<2048x8xf32>
    %max3A_37 = arith.constant 0.000000e+00 : f32
    %max3A_38 = vector.broadcast %max3A_37 : f32 to vector<2048x8xf32>
    %max3A_39 = arith.maximumf %add3A_36, %max3A_38 : vector<2048x8xf32>
    %get3A_40 = arith.constant 0 : index
    %get3A_41 = arith.constant 0 : index
    %get3A_42 = vector.load %arg8[%get3A_40, %get3A_41] : memref<8x4xf32, #tpu.memory_space<vmem>>, vector<8x4xf32>
    %dot_general3A_43 = arith.constant dense<0.000000e+00> : vector<2048x4xf32>
    %dot_general3A_44 = tpu.matmul %max3A_39, %get3A_42, %dot_general3A_43 {dimension_numbers = #tpu.dot_dimension_numbers<[1], [0], [0], [1], [0, 0, 1, 1], [], []>, transpose_lhs_hint = false} : vector<2048x8xf32>, vector<8x4xf32>, vector<2048x4xf32> -> vector<2048x4xf32>
    %get3A_45 = arith.constant 0 : index
    %get3A_46 = arith.constant 0 : index
    %get3A_47 = vector.load %arg9[%get3A_45, %get3A_46] : memref<1x4xf32, #tpu.memory_space<vmem>>, vector<1x4xf32>
    %add3A_48 = vector.broadcast %get3A_47 : vector<1x4xf32> to vector<2048x4xf32>
    %add3A_49 = arith.addf %dot_general3A_44, %add3A_48 : vector<2048x4xf32>
    %max3A_50 = arith.constant 0.000000e+00 : f32
    %max3A_51 = vector.broadcast %max3A_50 : f32 to vector<2048x4xf32>
    %max3A_52 = arith.maximumf %add3A_49, %max3A_51 : vector<2048x4xf32>
    %mul3A = arith.mulf %get3A_1, %get3A_7 : vector<2048x64xf32>
    %get3A_53 = arith.constant 0 : index
    %get3A_54 = arith.constant 0 : index
    %get3A_55 = vector.load %arg10[%get3A_53, %get3A_54] : memref<64x1xf32, #tpu.memory_space<vmem>>, vector<64x1xf32>
    %dot_general3A_56 = arith.constant dense<0.000000e+00> : vector<2048x1xf32>
    %dot_general3A_57 = tpu.matmul %mul3A, %get3A_55, %dot_general3A_56 {dimension_numbers = #tpu.dot_dimension_numbers<[1], [0], [0], [1], [0, 0, 1, 1], [], []>, transpose_lhs_hint = false} : vector<2048x64xf32>, vector<64x1xf32>, vector<2048x1xf32> -> vector<2048x1xf32>
    %get3A_58 = arith.constant 0 : index
    %get3A_59 = arith.constant 0 : index
    %get3A_60 = vector.load %arg11[%get3A_58, %get3A_59] : memref<4x1xf32, #tpu.memory_space<vmem>>, vector<4x1xf32>
    %dot_general3A_61 = arith.constant dense<0.000000e+00> : vector<2048x1xf32>
    %dot_general3A_62 = tpu.matmul %max3A_52, %get3A_60, %dot_general3A_61 {dimension_numbers = #tpu.dot_dimension_numbers<[1], [0], [0], [1], [0, 0, 1, 1], [], []>, transpose_lhs_hint = false} : vector<2048x4xf32>, vector<4x1xf32>, vector<2048x1xf32> -> vector<2048x1xf32>
    %add3A_63 = arith.addf %dot_general3A_57, %dot_general3A_62 : vector<2048x1xf32>
    %get3A_64 = arith.constant 0 : index
    %get3A_65 = arith.constant 0 : index
    %get3A_66 = vector.load %arg12[%get3A_64, %get3A_65] : memref<1x1xf32, #tpu.memory_space<vmem>>, vector<1x1xf32>
    %add3A_67 = vector.broadcast %get3A_66 : vector<1x1xf32> to vector<2048x1xf32>
    %add3A_68 = arith.addf %add3A_63, %add3A_67 : vector<2048x1xf32>
    %logistic3A = arith.negf %add3A_68 : vector<2048x1xf32>
    %logistic3A_69 = math.exp %logistic3A : vector<2048x1xf32>
    %logistic3A_70 = arith.constant 1.000000e+00 : f32
    %logistic3A_71 = vector.broadcast %logistic3A_70 : f32 to vector<2048x1xf32>
    %logistic3A_72 = arith.addf %logistic3A_71, %logistic3A_69 : vector<2048x1xf32>
    %logistic3A_73 = arith.divf %logistic3A_71, %logistic3A_72 : vector<2048x1xf32>
    %swap3A = arith.constant 0 : index
    %swap3A_74 = arith.constant 0 : index
    %swap3A_75 = vector.load %arg13[%swap3A, %swap3A_74] : memref<2048x1xf32, #tpu.memory_space<vmem>>, vector<2048x1xf32>
    tpu.vector_store %arg13[%swap3A, %swap3A_74], %logistic3A_73 {strides = array<i32>} : memref<2048x1xf32, #tpu.memory_space<vmem>>, vector<2048x1xf32>,
    return
  }
  func.func @transform_0(%arg0: i32) -> (i32, i32) {
    %c0_i32 = arith.constant 0 : i32
    %c0_i32_0 = arith.constant 0 : i32
    return %arg0, %c0_i32 : i32, i32
  }
  func.func @transform_1(%arg0: i32) -> (i32, i32) {
    %c0_i32 = arith.constant 0 : i32
    %c0_i32_0 = arith.constant 0 : i32
    return %arg0, %c0_i32 : i32, i32
  }
  func.func @transform_2(%arg0: i32) -> (i32, i32) {
    %c0_i32 = arith.constant 0 : i32
    %c0_i32_0 = arith.constant 0 : i32
    %c0_i32_1 = arith.constant 0 : i32
    return %c0_i32, %c0_i32_0 : i32, i32
  }
  func.func @transform_3(%arg0: i32) -> (i32, i32) {
    %c0_i32 = arith.constant 0 : i32
    %c0_i32_0 = arith.constant 0 : i32
    %c0_i32_1 = arith.constant 0 : i32
    return %c0_i32, %c0_i32_0 : i32, i32
  }
  func.func @transform_4(%arg0: i32) -> (i32, i32) {
    %c0_i32 = arith.constant 0 : i32
    %c0_i32_0 = arith.constant 0 : i32
    %c0_i32_1 = arith.constant 0 : i32
    return %c0_i32, %c0_i32_0 : i32, i32
  }
  func.func @transform_5(%arg0: i32) -> (i32, i32) {
    %c0_i32 = arith.constant 0 : i32
    %c0_i32_0 = arith.constant 0 : i32
    %c0_i32_1 = arith.constant 0 : i32
    return %c0_i32, %c0_i32_0 : i32, i32
  }
  func.func @transform_6(%arg0: i32) -> (i32, i32) {
    %c0_i32 = arith.constant 0 : i32
    %c0_i32_0 = arith.constant 0 : i32
    %c0_i32_1 = arith.constant 0 : i32
    return %c0_i32, %c0_i32_0 : i32, i32
  }
  func.func @transform_7(%arg0: i32) -> (i32, i32) {
    %c0_i32 = arith.constant 0 : i32
    %c0_i32_0 = arith.constant 0 : i32
    %c0_i32_1 = arith.constant 0 : i32
    return %c0_i32, %c0_i32_0 : i32, i32
  }
  func.func @transform_8(%arg0: i32) -> (i32, i32) {
    %c0_i32 = arith.constant 0 : i32
    %c0_i32_0 = arith.constant 0 : i32
    %c0_i32_1 = arith.constant 0 : i32
    return %c0_i32, %c0_i32_0 : i32, i32
  }
  func.func @transform_9(%arg0: i32) -> (i32, i32) {
    %c0_i32 = arith.constant 0 : i32
    %c0_i32_0 = arith.constant 0 : i32
    %c0_i32_1 = arith.constant 0 : i32
    return %c0_i32, %c0_i32_0 : i32, i32
  }
  func.func @transform_10(%arg0: i32) -> (i32, i32) {
    %c0_i32 = arith.constant 0 : i32
    %c0_i32_0 = arith.constant 0 : i32
    %c0_i32_1 = arith.constant 0 : i32
    return %c0_i32, %c0_i32_0 : i32, i32
  }
  func.func @transform_11(%arg0: i32) -> (i32, i32) {
    %c0_i32 = arith.constant 0 : i32
    %c0_i32_0 = arith.constant 0 : i32
    %c0_i32_1 = arith.constant 0 : i32
    return %c0_i32, %c0_i32_0 : i32, i32
  }
  func.func @transform_12(%arg0: i32) -> (i32, i32) {
    %c0_i32 = arith.constant 0 : i32
    %c0_i32_0 = arith.constant 0 : i32
    return %arg0, %c0_i32 : i32, i32
  }
}

</mosaic_0001>

<sc_bundles>
// kernel: kernel.4.cloned.1.call-start
scs
__scs_entry_jumppad:
0x0: {  	(pc) =	sbr.rel $0x88, $3  }
0x1: {  	(tag) =	ssettag $0x0;
	lr =	simm.s32 $0x1  }
0x2: {  	[smem:$0x3F93] =	sst lr;
	_ =	strace $0xD0000000  }
0x3: {  	_ = 	snop  }
0x4: {  	_ = 	snop  }
0x5: {  	_ = 	snop  }
0x6: {  	_ = 	snop  }
0x7: {  	_ = 	snop  }
__scs_overlays_trampoline_lowered:
0x8: {  	[smem:$0x3FA2] =	sst s0  }
0x9: {  	[smem:$0x3FA3] =	sst s1  }
0xa: {  	[smem:$0x3FA4] =	sst s2  }
0xb: {  	[smem:$0x3FA5] =	sst s3  }
0xc: {  	[smem:$0x3FA6] =	sst s4  }
0xd: {  	[smem:$0x3FA7] =	sst s5  }
0xe: {  	[smem:$0x3FA8] =	sst s6  }
0xf: {  	[smem:$0x3FA9] =	sst s7  }
0x10: {  	[smem:$0x3FAA] =	sst s8  }
0x11: {  	[smem:$0x3FAB] =	sst s9;
	s0 =	simm.s32 @!p0 $0x0  }
0x12: {  	s1 =	sld [smem:$0x3F91];
	s0 =	simm.s32 @p0 $0x1  }
0x13: {  	[smem:$0x3FAC] =	sst s0;
	s0 =	simm.s32 @!p1 $0x0  }
0x14: {  	s2 =	sld [smem:$0x3F90];
	s0 =	simm.s32 @p1 $0x1  }
0x15: {  	[smem:$0x3FAD] =	sst s0;
	s0 =	simm.s32 @!p2 $0x0  }
0x16: {  	s3 =	sld [smem:$0x3FDB];
	s0 =	simm.s32 @p2 $0x1  }
0x17: {  	s4 =	simm.s32 $0x1BF5;
	[smem:$0x3FAF] =	sst s0  }
0x18: {  	s0 =	sld [smem:$0x3F92];
	_ =	swait.ge [sflag:s4], $0x0  }
0x19: {  	s7 =	sld [smem:$0x3F93]  }
0x1a: {  	s8 =	sadd.s32 $0xFFFFE003, lr  }
0x1b: {  	s9 =	sadd.s32 $0xFFFFFEF7, lr;
	s5 =	simm.s32 $0xFFFFFFFF;
	p2 =	slt.u32 s8, $0xFFFFF086  }
0x1c: {  	p1 =	slt.u32 s9, $0xF7A;
	s5 =	simm.s32 @!p2 $0x0  }
0x1d: {  	s5 =	simm.s32 @p1 $0x1;
	p0 =	seq.s32 s7, s2  }
0x1e: {  	s7 =	smul.u32 @!p0 $0xF7A, s2;
	p2 =	seq.s32 @!p0 s5, $0x0  }
0x1f: {  	s9 =	smul.u32 $0xF7A, s1;
	s8 =	simm.s32 @!p0 $0x1BF5;
	p2 =	por !p2, p0  }
0x20: {  	[sflag:s8] =	ssyncset.s32 @!p0 $0xFFFFF086;
	s6 =	sadd.s32 @!p0 s3, s7;
	s7 =	simm.s32 @!p0 $0x108  }
0x21: {  	s3 =	sadd.s32 s3, s9;
	s6 =	sadd.s32 @!p0 $0x88, s6;
	s7 =	simm.s32 @p2 $0x1082  }
0x22: {  	[simem:s7], [sflag:s8] =	dma.local @!p0 [hbm:s6], $0xF7A  }
0x23: {  	s9 =	sor.u32 $0xD0000000, s2;
	s6 =	simm.s32 $0x108;
	_ =	swait.ge @!p0 [sflag:s8], $0x0  }
0x24: {  	s3 =	sadd.s32 $0x88, s3;
	s6 =	simm.s32 @!p1 $0x1082;
	[sflag:s4] =	ssyncset.s32 $0xFFFFF086  }
0x25: {  	[simem:s6], [sflag:s4] =	dma.local [hbm:s3], $0xF7A  }
0x26: {  	[smem:$0x3F93] =	sst s1;
	(tag) =	ssettag s2;
	_ =	strace s9  }
0x27: {  	s1 =	sld [smem:$0x3FA3]  }
0x28: {  	s2 =	sld [smem:$0x3FA4]  }
0x29: {  	s4 =	sld [smem:$0x3FA6]  }
0x2a: {  	p0 =	seq.s32 s5, $0x0;
	s5 =	sld [smem:$0x3FA7]  }
0x2b: {  	s6 =	sld [smem:$0x3FA8]  }
0x2c: {  	s7 =	sld [smem:$0x3FA9]  }
0x2d: {  	s3 =	simm.s32 $0x108;
	s8 =	sld [smem:$0x3FAA]  }
0x2e: {  	s3 =	simm.s32 @!p0 $0x1082;
	s9 =	sld [smem:$0x3FAB]  }
0x2f: {  	lr =	sadd.s32 s0, s3;
	s0 =	sld [smem:$0x3FA2]  }
0x30: {  	s3 =	sld [smem:$0x3FA5]  }
0x31: {  	[smem:$0x3FAE] =	sst s10  }
0x32: {  	s10 =	sld [smem:$0x3FAC];
	_ =	sdelay $0x3  }
0x33: {  	p0 =	seq.s32 s10, $0x1;
	s10 =	sld [smem:$0x3FAE];
	_ =	sdelay $0x3  }
0x34: {  	[smem:$0x3FAE] =	sst s10  }
0x35: {  	s10 =	sld [smem:$0x3FAD];
	_ =	sdelay $0x3  }
0x36: {  	p1 =	seq.s32 s10, $0x1;
	s10 =	sld [smem:$0x3FAE];
	_ =	sdelay $0x3  }
0x37: {  	[smem:$0x3FAE] =	sst s10  }
0x38: {  	s10 =	sld [smem:$0x3FAF]  }
0x39: {  	_ = 	snop;
	(pc) =	sbr.ind lr, $3  }
0x3a: {  	_ = 	snop  }
0x3b: {  	_ = 	snop  }
0x3c: {  	p2 =	seq.s32 s10, $0x1;
	s10 =	sld [smem:$0x3FAE]  }
0x3d: {  	_ =	shalt  }
0x3e: {  	_ =	shalt  }
0x3f: {  	_ =	shalt  }
0x40: {  	_ =	shalt  }
0x41: {  	_ =	shalt  }
0x42: {  	_ =	shalt  }
0x43: {  	_ =	shalt  }
0x44: {  	_ =	shalt  }
0x45: {  	_ =	shalt  }
0x46: {  	_ =	shalt  }
0x47: {  	_ =	shalt  }
0x48: {  	_ =	shalt  }
0x49: {  	_ =	shalt  }
0x4a: {  	_ =	shalt  }
0x4b: {  	_ =	shalt  }
0x4c: {  	_ =	shalt  }
0x4d: {  	_ =	shalt  }
0x4e: {  	_ =	shalt  }
0x4f: {  	_ =	shalt  }
0x50: {  	_ =	shalt  }
0x51: {  	_ =	shalt  }
0x52: {  	_ =	shalt  }
0x53: {  	_ =	shalt  }
0x54: {  	_ =	shalt  }
0x55: {  	_ =	shalt  }
0x56: {  	_ =	shalt  }
0x57: {  	_ =	shalt  }
0x58: {  	_ =	shalt  }
0x59: {  	_ =	shalt  }
0x5a: {  	_ =	shalt  }
0x5b: {  	_ =	shalt  }
0x5c: {  	_ =	shalt  }
0x5d: {  	_ =	shalt  }
0x5e: {  	_ =	shalt  }
0x5f: {  	_ =	shalt  }
0x60: {  	_ =	shalt  }
0x61: {  	_ =	shalt  }
0x62: {  	_ =	shalt  }
0x63: {  	_ =	shalt  }
0x64: {  	_ =	shalt  }
0x65: {  	_ =	shalt  }
0x66: {  	_ =	shalt  }
0x67: {  	_ =	shalt  }
0x68: {  	_ =	shalt  }
0x69: {  	_ =	shalt  }
0x6a: {  	_ =	shalt  }
0x6b: {  	_ =	shalt  }
0x6c: {  	_ =	shalt  }
0x6d: {  	_ =	shalt  }
0x6e: {  	_ =	shalt  }
0x6f: {  	_ =	shalt  }
0x70: {  	_ =	shalt  }
0x71: {  	_ =	shalt  }
0x72: {  	_ =	shalt  }
0x73: {  	_ =	shalt  }
0x74: {  	_ =	shalt  }
0x75: {  	_ =	shalt  }
0x76: {  	_ =	shalt  }
0x77: {  	_ =	shalt  }
0x78: {  	_ =	shalt  }
0x79: {  	_ =	shalt  }
0x7a: {  	_ =	shalt  }
0x7b: {  	_ =	shalt  }
0x7c: {  	_ =	shalt  }
0x7d: {  	_ =	shalt  }
0x7e: {  	_ =	shalt  }
0x7f: {  	_ =	shalt  }
0x80: {  	_ =	shalt  }
0x81: {  	_ =	shalt  }
0x82: {  	_ =	shalt  }
0x83: {  	_ =	shalt  }
0x84: {  	_ =	shalt  }
0x85: {  	_ =	shalt  }
0x86: {  	_ =	shalt  }
0x87: {  	_ =	shalt  }
.Lfunc_end0:
.L_simem_size_0:
called_computation_lowered:
.L_overlay_start_0:
0x88: {  	s2 =	sld [smem:$0x3FD9]  }
0x89: {  	s3 =	sld [smem:$0x3FFE];
	_ =	sdelay $0x1  }
0x8a: {  	s1 =	srdreg.scid  }
0x8b: {  	s0 =	sand.u32 $0x1, s1  }
0x8c: {  	s17 =	sshll.u32 s0, $0xA;
	s2 =	sadd.s32 s3, s2  }
0x8d: {  	s2 =	sadd.s32 s2, s17  }
0x8e: {  	[smem:$0x3FBA] =	sst s2  }
0x8f: {  	_ = 	snop  }
0x90: {  	s2 =	sld [smem:$0x3FC9]  }
0x91: {  	s18 =	sld [smem:$0x3FC8];
	(tm) =	ssettm $0x1  }
0x92: {  	s4 =	sld [smem:$0x3FFB];
	_ =	sdelay $0x3  }
0x93: {  	_ =	strace s4  }
0x94: {  	s4 =	sld [smem:$0x3FFC];
	_ =	sdelay $0x3  }
0x95: {  	_ =	strace s4  }
0x96: {  	s4 =	sld [smem:$0x3FFD];
	_ =	sdelay $0x3  }
0x97: {  	_ =	strace s4  }
0x98: {  	_ =	strace $0x8FFFFFFF  }
0x99: {  	s19 =	sld [smem:$0x3FDB];
	_ =	sdelay $0x1  }
0x9a: {  	s5 =	simm.s32 $_scs_section_size  }
0x9b: {  	s6 =	simm.s32 $_size__tile_overlayer_lowered;
	s7 =	simm.s32 $_tile_overlayer_lowered  }
0x9c: {  	s22 =	simm.s32 $0x1BFF;
	s21 =	sshll.u32 s7, $0x1;
	s4 =	sadd.s32 s5, s19  }
0x9d: {  	s8 =	simm.s32 $0x0;
	s20 =	sshll.u32 s6, $0x1;
	s6 =	sadd.s32 s21, s4  }
0x9e: {  	[timem:s8], [sflag:s22] =	dma.local [hbm:s6], s20  }
0x9f: {  	_ =	swait.ge [sflag:s22], s20  }
0xa0: {  	s5 =	ssub.s32 $0x0, s20;
	[sflag:s22] =	ssyncset.done $0x0  }
0xa1: {  	[sflag:s22] =	ssyncadd.s32 s5;
	_ =	sdelay $0x1  }
0xa2: {  	s23 =	simm.s32 $0x1B8B  }
0xa3: {  	_ =	swait.ge [sflag:s23], $0x1  }
0xa4: {  	[sflag:s23] =	ssyncset.done $0x0  }
0xa5: {  	s25 =	simm.s32 $0x1B8E;
	s24 =	sld [smem:$0x3FFE];
	[sflag:s23] =	ssyncadd.s32 $0xFFFFFFFF  }
0xa6: {  	s26 =	simm.s32 $execute0_lowered;
	[smem:$0x3FD2] =	sst s25  }
0xa7: {  	s6 =	sshll.u32 s26, $0x1;
	_ =	strace $0x80000046;
	[dreg:$0x1] =	wrdreg $0xFFFFFFFF  }
0xa8: {  	s28 =	simm.s32 $_size_execute0_lowered;
	s4 =	sadd.s32 s4, s6;
	[dreg:$0x0] =	wrdreg $0x0  }
0xa9: {  	s6 =	sshll.u32 s28, $0x1;
	[dreg:$0x2] =	wrdreg s4  }
0xaa: {  	[dreg:$0x3] =	wrdreg s6  }
0xab: {  	[dreg:$0x4] =	wrdreg $0xC0  }
0xac: {  	_ =	task [dreg:s8], $0x5FFFF  }
0xad: {  	[dreg:$0x1] =	wrdreg $0xFFFFFFFF  }
0xae: {  	[dreg:$0x0] =	wrdreg $0x60  }
0xaf: {  	[dreg:$0x2] =	wrdreg s2  }
0xb0: {  	[dreg:$0x3] =	wrdreg s18  }
0xb1: {  	[dreg:$0x4] =	wrdreg s24  }
0xb2: {  	[dreg:$0x5] =	wrdreg $0x9  }
0xb3: {  	_ =	task.clear_ibuf [dreg:s8], $0x6FFFF;
	_ =	strace $0x90000046  }
0xb4: {  	s29 =	simm.s32 $0x9;
	_ =	strace $0x80000048  }
0xb5: {  	_ =	swait.ge [sflag:s29], $0x1  }
0xb6: {  	[sflag:s29] =	ssyncadd.s32 $0xFFFFFFFF  }
0xb7: {  	_ =	strace $0x90000048  }
0xb8: {  	_ =	sfence  }
0xb9: {  	s30 =	sld [smem:$0x0];
	_ =	sdelay $0x2  }
0xba: {  	s31 =	sshll.u32 s1, $0xD;
	s1 =	sshrl.u32 s1, $0x2  }
0xbb: {  	s3 =	sand.u32 $0x4000, s31;
	s1 =	sadd.s32 s1, s30  }
0xbc: {  	s0 =	sor.u32 s3, s0;
	s1 =	sshll.u32 s1, $0x11  }
0xbd: {  	s0 =	sor.u32 s1, s0  }
0xbe: {  	s0 =	sadd.s32 $0x8F2B, s0  }
0xbf: {  	[sflag:s0] =	ssyncadd.remote.s32 $0x1  }
0xc0: {  	_ =	sfence.sel $0xFFFF  }
0xc1: {  	[dreg:$0x0] =	wrdreg $0xFFFFFFFF;
	(pc) =	sbr.abs _section_cstart, $3  }
0xc2: {  	[dreg:$0x1] =	wrdreg $0xFFFFFFFF  }
0xc3: {  	_ =	task.clear_ibuf [dreg:s8], $0x2FFFF;
	_ =	strace $0x9FFFFFFF  }
0xc4: {  	(tm) =	ssettm $0x7FFFFFFF  }
0xc5: {  	_ =	shalt  }
tec
execute0_lowered:
.L_overlay_start_1:
0x0: {  	(tag) =	ssettag $0x1  }
0x1: {  	s3 =	rddreg [dreg:$0x0];
	s1 =	srdreg.scid  }
0x2: {  	s5 =	rddreg [dreg:$0x1];
	s0 =	stileid.u32;
	s18 =	sand.u32 $0x1, s1  }
0x3: {  	s17 =	rddreg [dreg:$0x2];
	s4 =	sshll.u32 s0, $0xA;
	s6 =	sshll.u32 s18, $0x9  }
0x4: {  	s2 =	simm.s32 $0x0;
	s1 =	rddreg [dreg:$0x3];
	s12 =	sor.u32 s6, s4  }
0x5: {  	[smem:$0x7FF] =	sst s2;
	s6 =	sshrl.u32 s12, $0x3  }
0x6: {  	_ =	strace $0x80000047;
	s4 =	sadd.s32 s3, s6;
	s3 =	simm.s32 $0x3  }
0x7: {  	[tilespmem:s2], [sflag:$0x3] =	stream.linear.gather [hbm4b:s4+s2], $0x200, $0x38;
	[tilespmem:$0x10400] =	vst v63  }
0x8: {  	_ =	swait.ge [sflag:s3], $0x200  }
0x9: {  	[sflag:s3] =	ssyncset.done $0x0  }
0xa: {  	s5 =	sadd.s32 s5, s6;
	s6 =	simm.s32 $0x200;
	[sflag:s3] =	ssyncadd.s32 $0xFFFFFE00  }
0xb: {  	[tilespmem:s6], [sflag:$0x3] =	stream.linear.gather [hbm4b:s5+s2], $0x200, $0x38;
	[tilespmem:$0x10400] =	vst v63  }
0xc: {  	_ =	swait.ge [sflag:s3], $0x200  }
0xd: {  	s8 =	simm.s32 $0x100;
	[sflag:s3] =	ssyncset.done $0x0  }
0xe: {  	s9 =	simm.s32 $0x400;
	s7 =	sadd.s32 $0x61E000, s17;
	[sflag:s3] =	ssyncadd.s32 $0xFFFFFE00  }
0xf: {  	[tilespmem:s9], [sflag:$0x1] =	stream.indirect.gather [hbm4b:s7+s8], $0x80, s2, s8, $0xb8;
	[tilespmem:$0x10400] =	vst v63  }
0x10: {  	s10 =	simm.s32 $0x8400;
	s11 =	simm.s32 $0x1  }
0x11: {  	[tilespmem:s10], [sflag:$0x2] =	stream.indirect.gather [hbm4b:s7+s8], $0x80, s8, s8, $0xb8;
	[tilespmem:$0x10400] =	vst v63  }
0x12: {  	_ =	swait.ge [sflag:s11], $0x8000  }
0x13: {  	s15 =	sadd.s32 $0x3800, s17;
	s19 =	sshll.u32 s12, $0x4;
	[sflag:s11] =	ssyncset.done $0x0  }
0x14: {  	s12 =	sadd.s32 s15, s19;
	[sflag:s11] =	ssyncadd.s32 $0xFFFF8000  }
0x15: {  	[hbm4b:s12+s2] =	stream.linear.scatter [tilespmem:s9], [sflag:$0x3], $0x8000, $0x38;
	[tilespmem:$0x10400] =	vst v63  }
0x16: {  	_ =	swait.ge [sflag:s3], $0x8000  }
0x17: {  	[sflag:s3] =	ssyncset.done $0x0  }
0x18: {  	s14 =	simm.s32 $0x2;
	s13 =	sadd.s32 $0x7A4A00, s17;
	[sflag:s3] =	ssyncadd.s32 $0xFFFF8000  }
0x19: {  	[tilespmem:s9], [sflag:$0x1] =	stream.indirect.gather [hbm4b:s13+s8], $0x80, s6, s8, $0xb8;
	[tilespmem:$0x10400] =	vst v63  }
0x1a: {  	_ =	swait.ge [sflag:s14], $0x8000  }
0x1b: {  	s20 =	sor.u32 $0x1000, s19;
	[sflag:s14] =	ssyncset.done $0x0  }
0x1c: {  	s15 =	sadd.s32 s15, s20;
	[sflag:s14] =	ssyncadd.s32 $0xFFFF8000  }
0x1d: {  	[hbm4b:s15+s2] =	stream.linear.scatter [tilespmem:s10], [sflag:$0x3], $0x8000, $0x38;
	[tilespmem:$0x10400] =	vst v63  }
0x1e: {  	_ =	swait.ge [sflag:s3], $0x8000  }
0x1f: {  	[sflag:s3] =	ssyncset.done $0x0  }
0x20: {  	s16 =	simm.s32 $0x300;
	[sflag:s3] =	ssyncadd.s32 $0xFFFF8000  }
0x21: {  	[tilespmem:s10], [sflag:$0x2] =	stream.indirect.gather [hbm4b:s13+s8], $0x80, s16, s8, $0xb8;
	[tilespmem:$0x10400] =	vst v63  }
0x22: {  	_ =	swait.ge [sflag:s11], $0x8000  }
0x23: {  	s21 =	sadd.s32 $0x43800, s17;
	[sflag:s11] =	ssyncset.done $0x0  }
0x24: {  	s18 =	ssub.s32 $0x2, s18;
	s17 =	sadd.s32 s21, s19;
	[sflag:s11] =	ssyncadd.s32 $0xFFFF8000  }
0x25: {  	[hbm4b:s17+s2] =	stream.linear.scatter [tilespmem:s9], [sflag:$0x3], $0x8000, $0x38;
	[tilespmem:$0x10400] =	vst v63  }
0x26: {  	s31 =	sshrl.u32 s18, $0x1;
	_ =	swait.ge [sflag:s3], $0x8000  }
0x27: {  	s19 =	ssub.s32 s18, s31;
	[sflag:s3] =	ssyncset.done $0x0  }
0x28: {  	s19 =	smax.u32 s19, $0x1;
	[sflag:s3] =	ssyncadd.s32 $0xFFFF8000  }
0x29: {  	p0 =	sne.s32 s19, $0x1;
	_ =	swait.ge [sflag:s14], $0x8000  }
.Ltmp0:
0x2a: {  	[sflag:s14] =	ssyncset.done $0x0;
	(pc) =	sbr.rel @!p0 .LBB2_2-.Ltmp0, $4  }
0x2b: {  	s18 =	sadd.s32 s21, s20;
	[sflag:s14] =	ssyncadd.s32 $0xFFFF8000  }
0x2c: {  	[hbm4b:s18+s2] =	stream.linear.scatter [tilespmem:s10], [sflag:$0x3], $0x8000, $0x38;
	[tilespmem:$0x10400] =	vst v63  }
0x2d: {  	_ =	swait.ge [sflag:s3], $0x8000  }
0x2e: {  	s19 =	sadd.s32 $0xFFFFFFFF, s19;
	[sflag:s3] =	ssyncset.done $0x0  }
.LBB2_1:
0x2f: {  	p0 =	sne.s32 s19, $0x1;
	s19 =	sadd.s32 $0xFFFFFFFF, s19;
	[sflag:s3] =	ssyncadd.s32 $0xFFFF8000  }
0x30: {  	[tilespmem:s2], [sflag:$0x3] =	stream.linear.gather [hbm4b:s4+s2], $0x200, $0x38;
	[tilespmem:$0x10400] =	vst v63  }
0x31: {  	_ =	swait.ge [sflag:s3], $0x200  }
0x32: {  	[sflag:s3] =	ssyncset.done $0x0  }
0x33: {  	[sflag:s3] =	ssyncadd.s32 $0xFFFFFE00  }
0x34: {  	[tilespmem:s6], [sflag:$0x3] =	stream.linear.gather [hbm4b:s5+s2], $0x200, $0x38;
	[tilespmem:$0x10400] =	vst v63  }
0x35: {  	_ =	swait.ge [sflag:s3], $0x200  }
0x36: {  	[sflag:s3] =	ssyncset.done $0x0  }
0x37: {  	[sflag:s3] =	ssyncadd.s32 $0xFFFFFE00  }
0x38: {  	[tilespmem:s9], [sflag:$0x1] =	stream.indirect.gather [hbm4b:s7+s8], $0x80, s2, s8, $0xb8;
	[tilespmem:$0x10400] =	vst v63  }
0x39: {  	_ = 	snop  }
0x3a: {  	[tilespmem:s10], [sflag:$0x2] =	stream.indirect.gather [hbm4b:s7+s8], $0x80, s8, s8, $0xb8;
	[tilespmem:$0x10400] =	vst v63  }
0x3b: {  	_ =	swait.ge [sflag:s11], $0x8000  }
0x3c: {  	[sflag:s11] =	ssyncset.done $0x0  }
0x3d: {  	[sflag:s11] =	ssyncadd.s32 $0xFFFF8000  }
0x3e: {  	[hbm4b:s12+s2] =	stream.linear.scatter [tilespmem:s9], [sflag:$0x3], $0x8000, $0x38;
	[tilespmem:$0x10400] =	vst v63  }
0x3f: {  	_ =	swait.ge [sflag:s3], $0x8000  }
0x40: {  	[sflag:s3] =	ssyncset.done $0x0  }
0x41: {  	[sflag:s3] =	ssyncadd.s32 $0xFFFF8000  }
0x42: {  	[tilespmem:s9], [sflag:$0x1] =	stream.indirect.gather [hbm4b:s13+s8], $0x80, s6, s8, $0xb8;
	[tilespmem:$0x10400] =	vst v63  }
0x43: {  	_ =	swait.ge [sflag:s14], $0x8000  }
0x44: {  	[sflag:s14] =	ssyncset.done $0x0  }
0x45: {  	[sflag:s14] =	ssyncadd.s32 $0xFFFF8000  }
0x46: {  	[hbm4b:s15+s2] =	stream.linear.scatter [tilespmem:s10], [sflag:$0x3], $0x8000, $0x38;
	[tilespmem:$0x10400] =	vst v63  }
0x47: {  	_ =	swait.ge [sflag:s3], $0x8000  }
0x48: {  	[sflag:s3] =	ssyncset.done $0x0  }
0x49: {  	[sflag:s3] =	ssyncadd.s32 $0xFFFF8000  }
0x4a: {  	[tilespmem:s10], [sflag:$0x2] =	stream.indirect.gather [hbm4b:s13+s8], $0x80, s16, s8, $0xb8;
	[tilespmem:$0x10400] =	vst v63  }
0x4b: {  	_ =	swait.ge [sflag:s11], $0x8000  }
0x4c: {  	[sflag:s11] =	ssyncset.done $0x0  }
0x4d: {  	[sflag:s11] =	ssyncadd.s32 $0xFFFF8000  }
0x4e: {  	[hbm4b:s17+s2] =	stream.linear.scatter [tilespmem:s9], [sflag:$0x3], $0x8000, $0x38;
	[tilespmem:$0x10400] =	vst v63  }
0x4f: {  	_ =	swait.ge [sflag:s3], $0x8000  }
0x50: {  	[sflag:s3] =	ssyncset.done $0x0  }
0x51: {  	[sflag:s3] =	ssyncadd.s32 $0xFFFF8000  }
0x52: {  	_ =	swait.ge [sflag:s14], $0x8000  }
.Ltmp1:
0x53: {  	[sflag:s14] =	ssyncset.done $0x0;
	(pc) =	sbr.rel @p0 .LBB2_1-.Ltmp1, $4  }
0x54: {  	[sflag:s14] =	ssyncadd.s32 $0xFFFF8000  }
0x55: {  	[hbm4b:s18+s2] =	stream.linear.scatter [tilespmem:s10], [sflag:$0x3], $0x8000, $0x38;
	[tilespmem:$0x10400] =	vst v63  }
0x56: {  	_ =	swait.ge [sflag:s3], $0x8000  }
0x57: {  	[sflag:s3] =	ssyncset.done $0x0  }
.LBB2_2:
0x58: {  	[sflag:s3] =	ssyncadd.s32 $0xFFFF8000  }
0x59: {  	_ =	sfence.sel $0x180000  }
0x5a: {  	[bflag:$0x0] =	sbarrier.arrive $0xFFFF  }
0x5b: {  	p0 =	sne.s32 s0, $0x0;
	_ =	strace $0x90000047  }
0x5c: {  	s0 =	sadd.s32 @!p0 $0x100000, s1;
	[bflag:$0x2] =	sbarrier.arrive $0xFFFF  }
0x5d: {  	[sflag:s0] =	ssyncadd.tile.s32 @!p0 $0x1;
	_ =	shalt  }
.Lfunc_end2:
_tile_overlayer_lowered:
.L_overlay_start_2:
0x5e: {  	(tag) =	ssettag $0x2  }
0x5f: {  	s0 =	rddreg [dreg:$0x0];
	s2 =	stileid.u32  }
0x60: {  	s1 =	rddreg [dreg:$0x1];
	p0 =	sne.s32 s2, $0x0  }
0x61: {  	s3 =	rddreg [dreg:$0x2];
	[bflag:$0x3] =	sbarrier.arrive $0xFFFF;
	s2 =	simm.s32 @!p0 $0x1C03  }
0x62: {  	[timem:s3], [sflag:s2] =	dma.local @!p0 [hbm:s0], s1  }
0x63: {  	s0 =	simm.s32 @!p0 $0x3  }
0x64: {  	_ =	swait.ge @!p0 [sflag:s0], s1  }
0x65: {  	s1 =	ssub.s32 @!p0 $0x0, s1;
	[sflag:s0] =	ssyncset.done @!p0 $0x0  }
0x66: {  	[sflag:s0] =	ssyncadd.s32 @!p0 s1  }
0x67: {  	[bflag:$0x3] =	sbarrier.arrive $0xFFFF  }
0x68: {  	_ =	shalt  }

</sc_bundles>
